<compile_context>
chip_gen: v7x
topology: tpu7x:2x2x1
jax: 0.10.2.dev20260603
libtpu: 0.0.44.dev20260713+nightly
codegen_flags: <defaults>
</compile_context>

<pallas_src>
import functools

import jax
import jax.numpy as jnp
import numpy as np
from jax import lax
from jax.experimental import pallas as pl
from jax.experimental.pallas import tpu as pltpu
from jax.experimental.pallas import tpu_sc as plsc

MIN_LOG_REWARD = np.float32(-10.0)
HARD_LOG = np.logaddexp(np.float32(0.0), np.log(np.float32(10.0))).astype(np.float32)

_NC = 2
_NS = 16
_L = 16


def _round_up(x: int, m: int) -> int:
    return (x + m - 1) // m * m


@functools.lru_cache(maxsize=None)
def _build(n_nodes: int, n_ans: int, n_out: int):
    nw = _NC * _NS
    ch_s = _round_up(-(-n_ans // _NS), 128)
    ch_g = _round_up(-(-n_out // nw), 128)
    assert ch_s <= n_ans and ch_g <= n_out
    assert (n_ans - ch_s) % 8 == 0 and (n_out - ch_g) % 8 == 0
    n_flag = _NS * ch_s
    assert n_flag >= n_nodes and n_flag >= n_out

    mesh = plsc.VectorSubcoreMesh(core_axis_name="c", subcore_axis_name="s")

    @functools.partial(
        pl.kernel,
        mesh=mesh,
        out_type=[
            jax.ShapeDtypeStruct((n_out,), jnp.float32),
            jax.ShapeDtypeStruct((n_out,), jnp.float32),
        ],
        scratch_types=[
            pltpu.VMEM((ch_s,), jnp.int32),
            pltpu.VMEM((ch_s,), jnp.int32),
            pltpu.VMEM((ch_s,), jnp.int32),
            pltpu.VMEM((ch_g,), jnp.int32),
            pltpu.VMEM((ch_g,), jnp.float32),
            pltpu.VMEM((ch_g,), jnp.float32),
            pltpu.VMEM_SHARED((n_flag,), jnp.int32),
            pltpu.SemaphoreType.DMA,
            pltpu.SemaphoreType.DMA,
        ],
    )
    def run(ans_hbm, rew_hbm, logr_hbm,
            idx_s, zero_s, val_s, gath_v, rew_v, logr_v, flags_sh,
            sem_a, sem_b):
        cid = lax.axis_index("c")
        sid = lax.axis_index("s")
        wid = sid * _NC + cid
        base_s = jnp.minimum(sid * ch_s, n_ans - ch_s)
        base_g = jnp.minimum(wid * ch_g, n_out - ch_g)

        cp_ans = pltpu.async_copy(ans_hbm.at[pl.ds(base_s, ch_s)],
                                  idx_s, sem_a)

        zero16 = jnp.zeros((_L,), jnp.int32)
        one16 = jnp.ones((_L,), jnp.int32)

        def fill(i, _):
            for u in range(8):
                s = pl.ds(pl.multiple_of(i * (8 * _L) + u * _L, _L), _L)
                zero_s[s] = zero16
                val_s[s] = one16
            return 0
        lax.fori_loop(0, ch_s // (8 * _L), fill, 0)

        pltpu.async_copy(zero_s, flags_sh.at[pl.ds(sid * ch_s, ch_s)],
                         sem_b).wait()
        plsc.subcore_barrier()

        cp_ans.wait()
        pltpu.sync_copy(val_s, flags_sh.at[idx_s], add=True)

        plsc.subcore_barrier()

        pltpu.sync_copy(flags_sh.at[pl.ds(base_g, ch_g)], gath_v)

        def emit(i, _):
            for u in range(4):
                s = pl.ds(pl.multiple_of(i * (4 * _L) + u * _L, _L), _L)
                hh = gath_v[s] > 0
                rew_v[s] = jnp.where(hh, jnp.float32(1.0), jnp.float32(0.0))
                logr_v[s] = jnp.where(hh, jnp.float32(HARD_LOG),
                                      MIN_LOG_REWARD)
            return 0
        lax.fori_loop(0, ch_g // (4 * _L), emit, 0)

        cp_r = pltpu.async_copy(rew_v, rew_hbm.at[pl.ds(base_g, ch_g)],
                                sem_b)
        cp_l = pltpu.async_copy(logr_v, logr_hbm.at[pl.ds(base_g, ch_g)],
                                sem_b)
        cp_r.wait()
        cp_l.wait()

    return run


def kernel(edge_index, start_node_locals, start_ptr, answer_node_locals,
           node_ptr, stop_node_locals, answer_hit):
    n_nodes = node_ptr.shape[0] - 1
    n_out = stop_node_locals.shape[0]
    n_ans = answer_node_locals.shape[0]
    run = _build(n_nodes, n_ans, n_out)
    rew, logr = run(answer_node_locals.astype(jnp.int32))
    return (rew, logr, answer_hit.astype(jnp.float32))

# --- scband reference (transcript-rebuilt; emitter-appended) ---
"""Pipeline reference for scband-graph-fusion-reward-80049600463289 (READ-ONLY COPY).

The authoritative reference and input builder live on the scoring server;
editing this copy changes nothing except your own understanding.
"""

import jax, jax.numpy as jnp
import numpy as np

N_NODES = 100000
N_EDGES = 6400000
NUM_GRAPHS = 100000
HARD_TARGET_BONUS = 10.0
MIN_LOG_REWARD = -10.0


def setup_inputs(seed: int = 0) -> dict:
    key = jax.random.key(seed)
    k1, k2, k3, k4 = jax.random.split(key, 4)
    edge_index = jax.random.randint(k1, (2, N_EDGES), 0, N_NODES, dtype=jnp.int32)
    start_node_locals = jax.random.randint(k2, (100000,), 0, N_NODES, dtype=jnp.int32)
    answer_node_locals = jax.random.randint(k3, (100000,), 0, N_NODES, dtype=jnp.int32)
    start_ptr = jnp.arange(NUM_GRAPHS + 1, dtype=jnp.int32)
    node_ptr = jnp.arange(NUM_GRAPHS + 1, dtype=jnp.int32)
    stop_node_locals = jnp.zeros((NUM_GRAPHS,), dtype=jnp.int32)
    answer_hit = jax.random.uniform(k4, (NUM_GRAPHS,), dtype=jnp.float32)
    return {
        'edge_index': edge_index,
        'start_node_locals': start_node_locals,
        'start_ptr': start_ptr,
        'answer_node_locals': answer_node_locals,
        'node_ptr': node_ptr,
        'stop_node_locals': stop_node_locals,
        'answer_hit': answer_hit,
    }


def reference(edge_index, start_node_locals, start_ptr, answer_node_locals, node_ptr, stop_node_locals, answer_hit):
    # _resolve_stop_nodes
    stop_locals = stop_node_locals.astype(jnp.int32)
    valid_stop = stop_locals >= 0
    node_offset = node_ptr[:-1]
    stop_globals = node_offset + jnp.clip(stop_locals, 0, None)

    # _build_node_flags (scatter-overwrite into large boolean arrays)
    n = node_ptr.shape[0] - 1
    node_is_start = jnp.zeros((n,), dtype=bool).at[start_node_locals].set(True)
    node_is_answer = jnp.zeros((n,), dtype=bool).at[answer_node_locals].set(True)

    # _build_invalid_nodes (gather edge endpoints, conditional scatter of True)
    heads = edge_index[0]
    tails = edge_index[1]
    start_heads = node_is_start[heads]
    start_tails = node_is_start[tails]
    neighbors_i = jnp.zeros((n,), dtype=jnp.int32)
    neighbors_i = neighbors_i.at[tails].max(start_heads.astype(jnp.int32))
    neighbors_i = neighbors_i.at[heads].max(start_tails.astype(jnp.int32))
    neighbors = neighbors_i > 0
    invalid_nodes = (node_is_start | neighbors) & (~node_is_answer)

    invalid_stop = invalid_nodes[stop_globals] | (~valid_stop)
    hard_hit = node_is_answer[stop_globals] & (~invalid_stop)

    log_reward = jnp.where(hard_hit, jnp.float32(0.0), jnp.float32(MIN_LOG_REWARD))
    # hard_target_bonus > 0 branch
    bonus_log = jnp.log(jnp.full_like(log_reward, HARD_TARGET_BONUS))
    hard_log = jnp.logaddexp(jnp.zeros_like(log_reward), bonus_log)
    log_reward = jnp.where(hard_hit, hard_log, log_reward)
    # step_bias == 0, potential_weight == 0: skipped
    min_log = jnp.full_like(log_reward, MIN_LOG_REWARD)
    log_reward = jnp.where(invalid_stop, min_log, log_reward)

    reward = hard_hit.astype(jnp.float32)
    success = answer_hit.astype(jnp.float32)
    return (reward, log_reward, success)

if __name__ == "__main__":
    import jax
    _d = setup_inputs()
    print(jax.jit(kernel)(*tuple(_d.values())))

</pallas_src>

<mosaic_0001>
#map = affine_map<(d0, d1) -> (0)>
module attributes {stable_mosaic.version = 14 : i64} {
  func.func @run(%arg0: i32, %arg1: i32, %arg2: memref<100000xi32, #tpu.memory_space<hbm>>, %arg3: memref<100000xf32, #tpu.memory_space<hbm>>, %arg4: memref<100000xf32, #tpu.memory_space<hbm>>, %arg5: memref<6272xi32, #tpu.memory_space<vmem>>, %arg6: memref<6272xi32, #tpu.memory_space<vmem>>, %arg7: memref<6272xi32, #tpu.memory_space<vmem>>, %arg8: memref<3200xi32, #tpu.memory_space<vmem>>, %arg9: memref<3200xf32, #tpu.memory_space<vmem>>, %arg10: memref<3200xf32, #tpu.memory_space<vmem>>, %arg11: memref<100352xi32, #tpu.memory_space<vmem_shared>>, %arg12: memref<!tpu.dma_semaphore, #tpu.memory_space<semaphore_mem>>, %arg13: memref<!tpu.dma_semaphore, #tpu.memory_space<semaphore_mem>>) attributes {dimension_semantics = [#tpu.dimension_semantics<core_parallel>, #tpu.dimension_semantics<subcore_parallel>], iteration_bounds = array<i64: 2, 16>, scalar_prefetch = 0 : i64, scratch_operands = 9 : i64, tpu.core_type = #tpu.core_type<sc_vector_subcore>, window_params = [{transform_indices = #map}, {transform_indices = #map}, {transform_indices = #map}]} {
    %mul3A = arith.constant 2 : i32
    %mul3A_0 = arith.muli %arg1, %mul3A : i32
    %add3A = arith.addi %mul3A_0, %arg0 : i32
    %mul3A_1 = arith.constant 6272 : i32
    %mul3A_2 = arith.muli %arg1, %mul3A_1 : i32
    %min3A = arith.constant 93728 : i32
    %min3A_3 = arith.minsi %mul3A_2, %min3A : i32
    %mul3A_4 = arith.constant 3200 : i32
    %mul3A_5 = arith.muli %add3A, %mul3A_4 : i32
    %min3A_6 = arith.constant 96800 : i32
    %min3A_7 = arith.minsi %mul3A_5, %min3A_6 : i32
    %dma_start3A = tpu.memref_slice %arg2[%min3A_3] : memref<100000xi32, #tpu.memory_space<hbm>> -> memref<6272xi32, #tpu.memory_space<hbm>>
    %dma_start3A_8 = tpu.memref_slice %arg2[%min3A_3] : memref<100000xi32, #tpu.memory_space<hbm>> -> memref<6272xi32, #tpu.memory_space<hbm>>
    tpu.enqueue_dma source(%dma_start3A_8 : memref<6272xi32, #tpu.memory_space<hbm>>) target(%arg5 : memref<6272xi32, #tpu.memory_space<vmem>>) target_semaphore(%arg12 : memref<!tpu.dma_semaphore, #tpu.memory_space<semaphore_mem>>)
    %broadcast_in_dim3A = arith.constant 0 : i32
    %broadcast_in_dim3A_9 = vector.broadcast %broadcast_in_dim3A : i32 to vector<16xi32>
    %broadcast_in_dim3A_10 = arith.constant 1 : i32
    %broadcast_in_dim3A_11 = vector.broadcast %broadcast_in_dim3A_10 : i32 to vector<16xi32>
    %scan3A = arith.constant 0 : i32
    %scan3A_12 = arith.constant 0 : i32
    %scan3A_13 = arith.constant 49 : i32
    %scan3A_14 = arith.addi %scan3A_12, %scan3A_13 : i32
    %scan3A_15 = arith.constant 1 : i32
    %scan3A_16 = scf.for %scan3A_41 = %scan3A_12 to %scan3A_14 step %scan3A_15 iter_args(%scan3A_42 = %scan3A) -> (i32)  : i32 {
      %mul3A_43 = arith.constant 128 : i32
      %mul3A_44 = arith.muli %scan3A_41, %mul3A_43 : i32
      %add3A_45 = arith.constant 0 : i32
      %add3A_46 = arith.addi %mul3A_44, %add3A_45 : i32
      %multiple_of3A = tpu.assume_multiple %add3A_46, 16 : i32
      %swap3A = arith.index_cast %multiple_of3A : i32 to index
      %swap3A_47 = tpu.vector_load %arg6[%swap3A] {strides = array<i32>} : memref<6272xi32, #tpu.memory_space<vmem>>, vector<16xi32>,
      %swap3A_48 = vector.shape_cast %swap3A_47 : vector<16xi32> to vector<16xi32>
      %swap3A_49 = vector.shape_cast %broadcast_in_dim3A_9 : vector<16xi32> to vector<16xi32>
      tpu.vector_store %arg6[%swap3A], %swap3A_49 {strides = array<i32>} : memref<6272xi32, #tpu.memory_space<vmem>>, vector<16xi32>,
      %swap3A_50 = arith.index_cast %multiple_of3A : i32 to index
      %swap3A_51 = tpu.vector_load %arg7[%swap3A_50] {strides = array<i32>} : memref<6272xi32, #tpu.memory_space<vmem>>, vector<16xi32>,
      %swap3A_52 = vector.shape_cast %swap3A_51 : vector<16xi32> to vector<16xi32>
      %swap3A_53 = vector.shape_cast %broadcast_in_dim3A_11 : vector<16xi32> to vector<16xi32>
      tpu.vector_store %arg7[%swap3A_50], %swap3A_53 {strides = array<i32>} : memref<6272xi32, #tpu.memory_space<vmem>>, vector<16xi32>,
      %mul3A_54 = arith.constant 128 : i32
      %mul3A_55 = arith.muli %scan3A_41, %mul3A_54 : i32
      %add3A_56 = arith.constant 16 : i32
      %add3A_57 = arith.addi %mul3A_55, %add3A_56 : i32
      %multiple_of3A_58 = tpu.assume_multiple %add3A_57, 16 : i32
      %swap3A_59 = arith.index_cast %multiple_of3A_58 : i32 to index
      %swap3A_60 = tpu.vector_load %arg6[%swap3A_59] {strides = array<i32>} : memref<6272xi32, #tpu.memory_space<vmem>>, vector<16xi32>,
      %swap3A_61 = vector.shape_cast %swap3A_60 : vector<16xi32> to vector<16xi32>
      %swap3A_62 = vector.shape_cast %broadcast_in_dim3A_9 : vector<16xi32> to vector<16xi32>
      tpu.vector_store %arg6[%swap3A_59], %swap3A_62 {strides = array<i32>} : memref<6272xi32, #tpu.memory_space<vmem>>, vector<16xi32>,
      %swap3A_63 = arith.index_cast %multiple_of3A_58 : i32 to index
      %swap3A_64 = tpu.vector_load %arg7[%swap3A_63] {strides = array<i32>} : memref<6272xi32, #tpu.memory_space<vmem>>, vector<16xi32>,
      %swap3A_65 = vector.shape_cast %swap3A_64 : vector<16xi32> to vector<16xi32>
      %swap3A_66 = vector.shape_cast %broadcast_in_dim3A_11 : vector<16xi32> to vector<16xi32>
      tpu.vector_store %arg7[%swap3A_63], %swap3A_66 {strides = array<i32>} : memref<6272xi32, #tpu.memory_space<vmem>>, vector<16xi32>,
      %mul3A_67 = arith.constant 128 : i32
      %mul3A_68 = arith.muli %scan3A_41, %mul3A_67 : i32
      %add3A_69 = arith.constant 32 : i32
      %add3A_70 = arith.addi %mul3A_68, %add3A_69 : i32
      %multiple_of3A_71 = tpu.assume_multiple %add3A_70, 16 : i32
      %swap3A_72 = arith.index_cast %multiple_of3A_71 : i32 to index
      %swap3A_73 = tpu.vector_load %arg6[%swap3A_72] {strides = array<i32>} : memref<6272xi32, #tpu.memory_space<vmem>>, vector<16xi32>,
      %swap3A_74 = vector.shape_cast %swap3A_73 : vector<16xi32> to vector<16xi32>
      %swap3A_75 = vector.shape_cast %broadcast_in_dim3A_9 : vector<16xi32> to vector<16xi32>
      tpu.vector_store %arg6[%swap3A_72], %swap3A_75 {strides = array<i32>} : memref<6272xi32, #tpu.memory_space<vmem>>, vector<16xi32>,
      %swap3A_76 = arith.index_cast %multiple_of3A_71 : i32 to index
      %swap3A_77 = tpu.vector_load %arg7[%swap3A_76] {strides = array<i32>} : memref<6272xi32, #tpu.memory_space<vmem>>, vector<16xi32>,
      %swap3A_78 = vector.shape_cast %swap3A_77 : vector<16xi32> to vector<16xi32>
      %swap3A_79 = vector.shape_cast %broadcast_in_dim3A_11 : vector<16xi32> to vector<16xi32>
      tpu.vector_store %arg7[%swap3A_76], %swap3A_79 {strides = array<i32>} : memref<6272xi32, #tpu.memory_space<vmem>>, vector<16xi32>,
      %mul3A_80 = arith.constant 128 : i32
      %mul3A_81 = arith.muli %scan3A_41, %mul3A_80 : i32
      %add3A_82 = arith.constant 48 : i32
      %add3A_83 = arith.addi %mul3A_81, %add3A_82 : i32
      %multiple_of3A_84 = tpu.assume_multiple %add3A_83, 16 : i32
      %swap3A_85 = arith.index_cast %multiple_of3A_84 : i32 to index
      %swap3A_86 = tpu.vector_load %arg6[%swap3A_85] {strides = array<i32>} : memref<6272xi32, #tpu.memory_space<vmem>>, vector<16xi32>,
      %swap3A_87 = vector.shape_cast %swap3A_86 : vector<16xi32> to vector<16xi32>
      %swap3A_88 = vector.shape_cast %broadcast_in_dim3A_9 : vector<16xi32> to vector<16xi32>
      tpu.vector_store %arg6[%swap3A_85], %swap3A_88 {strides = array<i32>} : memref<6272xi32, #tpu.memory_space<vmem>>, vector<16xi32>,
      %swap3A_89 = arith.index_cast %multiple_of3A_84 : i32 to index
      %swap3A_90 = tpu.vector_load %arg7[%swap3A_89] {strides = array<i32>} : memref<6272xi32, #tpu.memory_space<vmem>>, vector<16xi32>,
      %swap3A_91 = vector.shape_cast %swap3A_90 : vector<16xi32> to vector<16xi32>
      %swap3A_92 = vector.shape_cast %broadcast_in_dim3A_11 : vector<16xi32> to vector<16xi32>
      tpu.vector_store %arg7[%swap3A_89], %swap3A_92 {strides = array<i32>} : memref<6272xi32, #tpu.memory_space<vmem>>, vector<16xi32>,
      %mul3A_93 = arith.constant 128 : i32
      %mul3A_94 = arith.muli %scan3A_41, %mul3A_93 : i32
      %add3A_95 = arith.constant 64 : i32
      %add3A_96 = arith.addi %mul3A_94, %add3A_95 : i32
      %multiple_of3A_97 = tpu.assume_multiple %add3A_96, 16 : i32
      %swap3A_98 = arith.index_cast %multiple_of3A_97 : i32 to index
      %swap3A_99 = tpu.vector_load %arg6[%swap3A_98] {strides = array<i32>} : memref<6272xi32, #tpu.memory_space<vmem>>, vector<16xi32>,
      %swap3A_100 = vector.shape_cast %swap3A_99 : vector<16xi32> to vector<16xi32>
      %swap3A_101 = vector.shape_cast %broadcast_in_dim3A_9 : vector<16xi32> to vector<16xi32>
      tpu.vector_store %arg6[%swap3A_98], %swap3A_101 {strides = array<i32>} : memref<6272xi32, #tpu.memory_space<vmem>>, vector<16xi32>,
      %swap3A_102 = arith.index_cast %multiple_of3A_97 : i32 to index
      %swap3A_103 = tpu.vector_load %arg7[%swap3A_102] {strides = array<i32>} : memref<6272xi32, #tpu.memory_space<vmem>>, vector<16xi32>,
      %swap3A_104 = vector.shape_cast %swap3A_103 : vector<16xi32> to vector<16xi32>
      %swap3A_105 = vector.shape_cast %broadcast_in_dim3A_11 : vector<16xi32> to vector<16xi32>
      tpu.vector_store %arg7[%swap3A_102], %swap3A_105 {strides = array<i32>} : memref<6272xi32, #tpu.memory_space<vmem>>, vector<16xi32>,
      %mul3A_106 = arith.constant 128 : i32
      %mul3A_107 = arith.muli %scan3A_41, %mul3A_106 : i32
      %add3A_108 = arith.constant 80 : i32
      %add3A_109 = arith.addi %mul3A_107, %add3A_108 : i32
      %multiple_of3A_110 = tpu.assume_multiple %add3A_109, 16 : i32
      %swap3A_111 = arith.index_cast %multiple_of3A_110 : i32 to index
      %swap3A_112 = tpu.vector_load %arg6[%swap3A_111] {strides = array<i32>} : memref<6272xi32, #tpu.memory_space<vmem>>, vector<16xi32>,
      %swap3A_113 = vector.shape_cast %swap3A_112 : vector<16xi32> to vector<16xi32>
      %swap3A_114 = vector.shape_cast %broadcast_in_dim3A_9 : vector<16xi32> to vector<16xi32>
      tpu.vector_store %arg6[%swap3A_111], %swap3A_114 {strides = array<i32>} : memref<6272xi32, #tpu.memory_space<vmem>>, vector<16xi32>,
      %swap3A_115 = arith.index_cast %multiple_of3A_110 : i32 to index
      %swap3A_116 = tpu.vector_load %arg7[%swap3A_115] {strides = array<i32>} : memref<6272xi32, #tpu.memory_space<vmem>>, vector<16xi32>,
      %swap3A_117 = vector.shape_cast %swap3A_116 : vector<16xi32> to vector<16xi32>
      %swap3A_118 = vector.shape_cast %broadcast_in_dim3A_11 : vector<16xi32> to vector<16xi32>
      tpu.vector_store %arg7[%swap3A_115], %swap3A_118 {strides = array<i32>} : memref<6272xi32, #tpu.memory_space<vmem>>, vector<16xi32>,
      %mul3A_119 = arith.constant 128 : i32
      %mul3A_120 = arith.muli %scan3A_41, %mul3A_119 : i32
      %add3A_121 = arith.constant 96 : i32
      %add3A_122 = arith.addi %mul3A_120, %add3A_121 : i32
      %multiple_of3A_123 = tpu.assume_multiple %add3A_122, 16 : i32
      %swap3A_124 = arith.index_cast %multiple_of3A_123 : i32 to index
      %swap3A_125 = tpu.vector_load %arg6[%swap3A_124] {strides = array<i32>} : memref<6272xi32, #tpu.memory_space<vmem>>, vector<16xi32>,
      %swap3A_126 = vector.shape_cast %swap3A_125 : vector<16xi32> to vector<16xi32>
      %swap3A_127 = vector.shape_cast %broadcast_in_dim3A_9 : vector<16xi32> to vector<16xi32>
      tpu.vector_store %arg6[%swap3A_124], %swap3A_127 {strides = array<i32>} : memref<6272xi32, #tpu.memory_space<vmem>>, vector<16xi32>,
      %swap3A_128 = arith.index_cast %multiple_of3A_123 : i32 to index
      %swap3A_129 = tpu.vector_load %arg7[%swap3A_128] {strides = array<i32>} : memref<6272xi32, #tpu.memory_space<vmem>>, vector<16xi32>,
      %swap3A_130 = vector.shape_cast %swap3A_129 : vector<16xi32> to vector<16xi32>
      %swap3A_131 = vector.shape_cast %broadcast_in_dim3A_11 : vector<16xi32> to vector<16xi32>
      tpu.vector_store %arg7[%swap3A_128], %swap3A_131 {strides = array<i32>} : memref<6272xi32, #tpu.memory_space<vmem>>, vector<16xi32>,
      %mul3A_132 = arith.constant 128 : i32
      %mul3A_133 = arith.muli %scan3A_41, %mul3A_132 : i32
      %add3A_134 = arith.constant 112 : i32
      %add3A_135 = arith.addi %mul3A_133, %add3A_134 : i32
      %multiple_of3A_136 = tpu.assume_multiple %add3A_135, 16 : i32
      %swap3A_137 = arith.index_cast %multiple_of3A_136 : i32 to index
      %swap3A_138 = tpu.vector_load %arg6[%swap3A_137] {strides = array<i32>} : memref<6272xi32, #tpu.memory_space<vmem>>, vector<16xi32>,
      %swap3A_139 = vector.shape_cast %swap3A_138 : vector<16xi32> to vector<16xi32>
      %swap3A_140 = vector.shape_cast %broadcast_in_dim3A_9 : vector<16xi32> to vector<16xi32>
      tpu.vector_store %arg6[%swap3A_137], %swap3A_140 {strides = array<i32>} : memref<6272xi32, #tpu.memory_space<vmem>>, vector<16xi32>,
      %swap3A_141 = arith.index_cast %multiple_of3A_136 : i32 to index
      %swap3A_142 = tpu.vector_load %arg7[%swap3A_141] {strides = array<i32>} : memref<6272xi32, #tpu.memory_space<vmem>>, vector<16xi32>,
      %swap3A_143 = vector.shape_cast %swap3A_142 : vector<16xi32> to vector<16xi32>
      %swap3A_144 = vector.shape_cast %broadcast_in_dim3A_11 : vector<16xi32> to vector<16xi32>
      tpu.vector_store %arg7[%swap3A_141], %swap3A_144 {strides = array<i32>} : memref<6272xi32, #tpu.memory_space<vmem>>, vector<16xi32>,
      %scan3A_145 = arith.constant 0 : i32
      scf.yield %scan3A_145 : i32
    }
    %scan3A_17 = arith.constant 49 : i32
    %mul3A_18 = arith.constant 6272 : i32
    %mul3A_19 = arith.muli %arg1, %mul3A_18 : i32
    %dma_start3A_20 = tpu.memref_slice %arg11[%mul3A_19] : memref<100352xi32, #tpu.memory_space<vmem_shared>> -> memref<6272xi32, #tpu.memory_space<vmem_shared>>
    %dma_start3A_21 = tpu.memref_slice %arg11[%mul3A_19] : memref<100352xi32, #tpu.memory_space<vmem_shared>> -> memref<6272xi32, #tpu.memory_space<vmem_shared>>
    tpu.enqueue_dma source(%arg6 : memref<6272xi32, #tpu.memory_space<vmem>>) target(%dma_start3A_21 : memref<6272xi32, #tpu.memory_space<vmem_shared>>) target_semaphore(%arg13 : memref<!tpu.dma_semaphore, #tpu.memory_space<semaphore_mem>>)
    %dma_wait3A = tpu.memref_slice %arg11[%mul3A_19] : memref<100352xi32, #tpu.memory_space<vmem_shared>> -> memref<6272xi32, #tpu.memory_space<vmem_shared>>
    %dma_wait3A_22 = tpu.memref_slice %arg11[%mul3A_19] : memref<100352xi32, #tpu.memory_space<vmem_shared>> -> memref<6272xi32, #tpu.memory_space<vmem_shared>>
    tpu.wait_dma2 semaphore(%arg13 : memref<!tpu.dma_semaphore, #tpu.memory_space<semaphore_mem>>) src(%arg6 : memref<6272xi32, #tpu.memory_space<vmem>>) dst(%dma_wait3A_22 : memref<6272xi32, #tpu.memory_space<vmem_shared>>)
    %barrier3A = arith.constant 0 : index
    tpu.barrier barrier_id(%barrier3A)
    %dma_wait3A_23 = tpu.memref_slice %arg2[%min3A_3] : memref<100000xi32, #tpu.memory_space<hbm>> -> memref<6272xi32, #tpu.memory_space<hbm>>
    %dma_wait3A_24 = tpu.memref_slice %arg2[%min3A_3] : memref<100000xi32, #tpu.memory_space<hbm>> -> memref<6272xi32, #tpu.memory_space<hbm>>
    tpu.wait_dma2 semaphore(%arg12 : memref<!tpu.dma_semaphore, #tpu.memory_space<semaphore_mem>>) src(%dma_wait3A_24 : memref<6272xi32, #tpu.memory_space<hbm>>) dst(%arg5 : memref<6272xi32, #tpu.memory_space<vmem>>)
    "tpu.region"() ({
      %run_scoped3A = tpu.sem_alloc : memref<!tpu.dma_semaphore, #tpu.memory_space<semaphore_mem>>
      %dma_start3A_41 = arith.constant 0 : i32
      %dma_start3A_42 = tpu.memref_slice %arg11[%dma_start3A_41] : memref<100352xi32, #tpu.memory_space<vmem_shared>> -> memref<100352xi32, #tpu.memory_space<vmem_shared>>
      tpu.enqueue_indirect_dma source(%arg7 : memref<6272xi32, #tpu.memory_space<vmem>>) target(%dma_start3A_42 : memref<100352xi32, #tpu.memory_space<vmem_shared>>) offsets(%arg5 : memref<6272xi32, #tpu.memory_space<vmem>>) semaphore(%run_scoped3A : memref<!tpu.dma_semaphore, #tpu.memory_space<semaphore_mem>>) {add = true}
      %dma_wait3A_43 = arith.constant 0 : i32
      %dma_wait3A_44 = tpu.memref_slice %arg11[%dma_wait3A_43] : memref<100352xi32, #tpu.memory_space<vmem_shared>> -> memref<100352xi32, #tpu.memory_space<vmem_shared>>
      tpu.wait_indirect_dma semaphore(%run_scoped3A : memref<!tpu.dma_semaphore, #tpu.memory_space<semaphore_mem>>) src(%arg7 : memref<6272xi32, #tpu.memory_space<vmem>>) dst(%dma_wait3A_44 : memref<100352xi32, #tpu.memory_space<vmem_shared>>)
      tpu.yield
    }) : () -> ()
    %barrier3A_25 = arith.constant 0 : index
    tpu.barrier barrier_id(%barrier3A_25)
    "tpu.region"() ({
      %run_scoped3A = tpu.sem_alloc : memref<!tpu.dma_semaphore, #tpu.memory_space<semaphore_mem>>
      %dma_start3A_41 = tpu.memref_slice %arg11[%min3A_7] : memref<100352xi32, #tpu.memory_space<vmem_shared>> -> memref<3200xi32, #tpu.memory_space<vmem_shared>>
      %dma_start3A_42 = tpu.memref_slice %arg11[%min3A_7] : memref<100352xi32, #tpu.memory_space<vmem_shared>> -> memref<3200xi32, #tpu.memory_space<vmem_shared>>
      tpu.enqueue_dma source(%dma_start3A_42 : memref<3200xi32, #tpu.memory_space<vmem_shared>>) target(%arg8 : memref<3200xi32, #tpu.memory_space<vmem>>) target_semaphore(%run_scoped3A : memref<!tpu.dma_semaphore, #tpu.memory_space<semaphore_mem>>)
      %dma_wait3A_43 = tpu.memref_slice %arg11[%min3A_7] : memref<100352xi32, #tpu.memory_space<vmem_shared>> -> memref<3200xi32, #tpu.memory_space<vmem_shared>>
      %dma_wait3A_44 = tpu.memref_slice %arg11[%min3A_7] : memref<100352xi32, #tpu.memory_space<vmem_shared>> -> memref<3200xi32, #tpu.memory_space<vmem_shared>>
      tpu.wait_dma2 semaphore(%run_scoped3A : memref<!tpu.dma_semaphore, #tpu.memory_space<semaphore_mem>>) src(%dma_wait3A_44 : memref<3200xi32, #tpu.memory_space<vmem_shared>>) dst(%arg8 : memref<3200xi32, #tpu.memory_space<vmem>>)
      tpu.yield
    }) : () -> ()
    %scan3A_26 = arith.constant 0 : i32
    %scan3A_27 = arith.constant 0 : i32
    %scan3A_28 = arith.constant 50 : i32
    %scan3A_29 = arith.addi %scan3A_27, %scan3A_28 : i32
    %scan3A_30 = arith.constant 1 : i32
    %scan3A_31 = scf.for %scan3A_41 = %scan3A_27 to %scan3A_29 step %scan3A_30 iter_args(%scan3A_42 = %scan3A_26) -> (i32)  : i32 {
      %mul3A_43 = arith.constant 64 : i32
      %mul3A_44 = arith.muli %scan3A_41, %mul3A_43 : i32
      %add3A_45 = arith.constant 0 : i32
      %add3A_46 = arith.addi %mul3A_44, %add3A_45 : i32
      %multiple_of3A = tpu.assume_multiple %add3A_46, 16 : i32
      %get3A = arith.index_cast %multiple_of3A : i32 to index
      %get3A_47 = tpu.vector_load %arg8[%get3A] {strides = array<i32>} : memref<3200xi32, #tpu.memory_space<vmem>>, vector<16xi32>,
      %get3A_48 = vector.shape_cast %get3A_47 : vector<16xi32> to vector<16xi32>
      %gt3A = arith.constant 0 : i32
      %gt3A_49 = vector.broadcast %gt3A : i32 to vector<16xi32>
      %gt3A_50 = arith.cmpi sgt, %get3A_48, %gt3A_49 : vector<16xi32>
      %jit3A = arith.constant 1.000000e+00 : f32
      %jit3A_51 = arith.constant 0.000000e+00 : f32
      %broadcast_in_dim3A_52 = vector.broadcast %jit3A : f32 to vector<16xf32>
      %broadcast_in_dim3A_53 = vector.broadcast %jit3A_51 : f32 to vector<16xf32>
      %select_n3A = arith.select %gt3A_50, %broadcast_in_dim3A_52, %broadcast_in_dim3A_53 : vector<16xi1>, vector<16xf32>
      %swap3A = arith.index_cast %multiple_of3A : i32 to index
      %swap3A_54 = tpu.vector_load %arg9[%swap3A] {strides = array<i32>} : memref<3200xf32, #tpu.memory_space<vmem>>, vector<16xf32>,
      %swap3A_55 = vector.shape_cast %swap3A_54 : vector<16xf32> to vector<16xf32>
      %swap3A_56 = vector.shape_cast %select_n3A : vector<16xf32> to vector<16xf32>
      tpu.vector_store %arg9[%swap3A], %swap3A_56 {strides = array<i32>} : memref<3200xf32, #tpu.memory_space<vmem>>, vector<16xf32>,
      %jit3A_57 = arith.constant 2.39789534 : f32
      %jit3A_58 = arith.constant -1.000000e+01 : f32
      %broadcast_in_dim3A_59 = vector.broadcast %jit3A_57 : f32 to vector<16xf32>
      %broadcast_in_dim3A_60 = vector.broadcast %jit3A_58 : f32 to vector<16xf32>
      %select_n3A_61 = arith.select %gt3A_50, %broadcast_in_dim3A_59, %broadcast_in_dim3A_60 : vector<16xi1>, vector<16xf32>
      %swap3A_62 = arith.index_cast %multiple_of3A : i32 to index
      %swap3A_63 = tpu.vector_load %arg10[%swap3A_62] {strides = array<i32>} : memref<3200xf32, #tpu.memory_space<vmem>>, vector<16xf32>,
      %swap3A_64 = vector.shape_cast %swap3A_63 : vector<16xf32> to vector<16xf32>
      %swap3A_65 = vector.shape_cast %select_n3A_61 : vector<16xf32> to vector<16xf32>
      tpu.vector_store %arg10[%swap3A_62], %swap3A_65 {strides = array<i32>} : memref<3200xf32, #tpu.memory_space<vmem>>, vector<16xf32>,
      %mul3A_66 = arith.constant 64 : i32
      %mul3A_67 = arith.muli %scan3A_41, %mul3A_66 : i32
      %add3A_68 = arith.constant 16 : i32
      %add3A_69 = arith.addi %mul3A_67, %add3A_68 : i32
      %multiple_of3A_70 = tpu.assume_multiple %add3A_69, 16 : i32
      %get3A_71 = arith.index_cast %multiple_of3A_70 : i32 to index
      %get3A_72 = tpu.vector_load %arg8[%get3A_71] {strides = array<i32>} : memref<3200xi32, #tpu.memory_space<vmem>>, vector<16xi32>,
      %get3A_73 = vector.shape_cast %get3A_72 : vector<16xi32> to vector<16xi32>
      %gt3A_74 = arith.constant 0 : i32
      %gt3A_75 = vector.broadcast %gt3A_74 : i32 to vector<16xi32>
      %gt3A_76 = arith.cmpi sgt, %get3A_73, %gt3A_75 : vector<16xi32>
      %jit3A_77 = arith.constant 1.000000e+00 : f32
      %jit3A_78 = arith.constant 0.000000e+00 : f32
      %broadcast_in_dim3A_79 = vector.broadcast %jit3A_77 : f32 to vector<16xf32>
      %broadcast_in_dim3A_80 = vector.broadcast %jit3A_78 : f32 to vector<16xf32>
      %select_n3A_81 = arith.select %gt3A_76, %broadcast_in_dim3A_79, %broadcast_in_dim3A_80 : vector<16xi1>, vector<16xf32>
      %swap3A_82 = arith.index_cast %multiple_of3A_70 : i32 to index
      %swap3A_83 = tpu.vector_load %arg9[%swap3A_82] {strides = array<i32>} : memref<3200xf32, #tpu.memory_space<vmem>>, vector<16xf32>,
      %swap3A_84 = vector.shape_cast %swap3A_83 : vector<16xf32> to vector<16xf32>
      %swap3A_85 = vector.shape_cast %select_n3A_81 : vector<16xf32> to vector<16xf32>
      tpu.vector_store %arg9[%swap3A_82], %swap3A_85 {strides = array<i32>} : memref<3200xf32, #tpu.memory_space<vmem>>, vector<16xf32>,
      %jit3A_86 = arith.constant 2.39789534 : f32
      %jit3A_87 = arith.constant -1.000000e+01 : f32
      %broadcast_in_dim3A_88 = vector.broadcast %jit3A_86 : f32 to vector<16xf32>
      %broadcast_in_dim3A_89 = vector.broadcast %jit3A_87 : f32 to vector<16xf32>
      %select_n3A_90 = arith.select %gt3A_76, %broadcast_in_dim3A_88, %broadcast_in_dim3A_89 : vector<16xi1>, vector<16xf32>
      %swap3A_91 = arith.index_cast %multiple_of3A_70 : i32 to index
      %swap3A_92 = tpu.vector_load %arg10[%swap3A_91] {strides = array<i32>} : memref<3200xf32, #tpu.memory_space<vmem>>, vector<16xf32>,
      %swap3A_93 = vector.shape_cast %swap3A_92 : vector<16xf32> to vector<16xf32>
      %swap3A_94 = vector.shape_cast %select_n3A_90 : vector<16xf32> to vector<16xf32>
      tpu.vector_store %arg10[%swap3A_91], %swap3A_94 {strides = array<i32>} : memref<3200xf32, #tpu.memory_space<vmem>>, vector<16xf32>,
      %mul3A_95 = arith.constant 64 : i32
      %mul3A_96 = arith.muli %scan3A_41, %mul3A_95 : i32
      %add3A_97 = arith.constant 32 : i32
      %add3A_98 = arith.addi %mul3A_96, %add3A_97 : i32
      %multiple_of3A_99 = tpu.assume_multiple %add3A_98, 16 : i32
      %get3A_100 = arith.index_cast %multiple_of3A_99 : i32 to index
      %get3A_101 = tpu.vector_load %arg8[%get3A_100] {strides = array<i32>} : memref<3200xi32, #tpu.memory_space<vmem>>, vector<16xi32>,
      %get3A_102 = vector.shape_cast %get3A_101 : vector<16xi32> to vector<16xi32>
      %gt3A_103 = arith.constant 0 : i32
      %gt3A_104 = vector.broadcast %gt3A_103 : i32 to vector<16xi32>
      %gt3A_105 = arith.cmpi sgt, %get3A_102, %gt3A_104 : vector<16xi32>
      %jit3A_106 = arith.constant 1.000000e+00 : f32
      %jit3A_107 = arith.constant 0.000000e+00 : f32
      %broadcast_in_dim3A_108 = vector.broadcast %jit3A_106 : f32 to vector<16xf32>
      %broadcast_in_dim3A_109 = vector.broadcast %jit3A_107 : f32 to vector<16xf32>
      %select_n3A_110 = arith.select %gt3A_105, %broadcast_in_dim3A_108, %broadcast_in_dim3A_109 : vector<16xi1>, vector<16xf32>
      %swap3A_111 = arith.index_cast %multiple_of3A_99 : i32 to index
      %swap3A_112 = tpu.vector_load %arg9[%swap3A_111] {strides = array<i32>} : memref<3200xf32, #tpu.memory_space<vmem>>, vector<16xf32>,
      %swap3A_113 = vector.shape_cast %swap3A_112 : vector<16xf32> to vector<16xf32>
      %swap3A_114 = vector.shape_cast %select_n3A_110 : vector<16xf32> to vector<16xf32>
      tpu.vector_store %arg9[%swap3A_111], %swap3A_114 {strides = array<i32>} : memref<3200xf32, #tpu.memory_space<vmem>>, vector<16xf32>,
      %jit3A_115 = arith.constant 2.39789534 : f32
      %jit3A_116 = arith.constant -1.000000e+01 : f32
      %broadcast_in_dim3A_117 = vector.broadcast %jit3A_115 : f32 to vector<16xf32>
      %broadcast_in_dim3A_118 = vector.broadcast %jit3A_116 : f32 to vector<16xf32>
      %select_n3A_119 = arith.select %gt3A_105, %broadcast_in_dim3A_117, %broadcast_in_dim3A_118 : vector<16xi1>, vector<16xf32>
      %swap3A_120 = arith.index_cast %multiple_of3A_99 : i32 to index
      %swap3A_121 = tpu.vector_load %arg10[%swap3A_120] {strides = array<i32>} : memref<3200xf32, #tpu.memory_space<vmem>>, vector<16xf32>,
      %swap3A_122 = vector.shape_cast %swap3A_121 : vector<16xf32> to vector<16xf32>
      %swap3A_123 = vector.shape_cast %select_n3A_119 : vector<16xf32> to vector<16xf32>
      tpu.vector_store %arg10[%swap3A_120], %swap3A_123 {strides = array<i32>} : memref<3200xf32, #tpu.memory_space<vmem>>, vector<16xf32>,
      %mul3A_124 = arith.constant 64 : i32
      %mul3A_125 = arith.muli %scan3A_41, %mul3A_124 : i32
      %add3A_126 = arith.constant 48 : i32
      %add3A_127 = arith.addi %mul3A_125, %add3A_126 : i32
      %multiple_of3A_128 = tpu.assume_multiple %add3A_127, 16 : i32
      %get3A_129 = arith.index_cast %multiple_of3A_128 : i32 to index
      %get3A_130 = tpu.vector_load %arg8[%get3A_129] {strides = array<i32>} : memref<3200xi32, #tpu.memory_space<vmem>>, vector<16xi32>,
      %get3A_131 = vector.shape_cast %get3A_130 : vector<16xi32> to vector<16xi32>
      %gt3A_132 = arith.constant 0 : i32
      %gt3A_133 = vector.broadcast %gt3A_132 : i32 to vector<16xi32>
      %gt3A_134 = arith.cmpi sgt, %get3A_131, %gt3A_133 : vector<16xi32>
      %jit3A_135 = arith.constant 1.000000e+00 : f32
      %jit3A_136 = arith.constant 0.000000e+00 : f32
      %broadcast_in_dim3A_137 = vector.broadcast %jit3A_135 : f32 to vector<16xf32>
      %broadcast_in_dim3A_138 = vector.broadcast %jit3A_136 : f32 to vector<16xf32>
      %select_n3A_139 = arith.select %gt3A_134, %broadcast_in_dim3A_137, %broadcast_in_dim3A_138 : vector<16xi1>, vector<16xf32>
      %swap3A_140 = arith.index_cast %multiple_of3A_128 : i32 to index
      %swap3A_141 = tpu.vector_load %arg9[%swap3A_140] {strides = array<i32>} : memref<3200xf32, #tpu.memory_space<vmem>>, vector<16xf32>,
      %swap3A_142 = vector.shape_cast %swap3A_141 : vector<16xf32> to vector<16xf32>
      %swap3A_143 = vector.shape_cast %select_n3A_139 : vector<16xf32> to vector<16xf32>
      tpu.vector_store %arg9[%swap3A_140], %swap3A_143 {strides = array<i32>} : memref<3200xf32, #tpu.memory_space<vmem>>, vector<16xf32>,
      %jit3A_144 = arith.constant 2.39789534 : f32
      %jit3A_145 = arith.constant -1.000000e+01 : f32
      %broadcast_in_dim3A_146 = vector.broadcast %jit3A_144 : f32 to vector<16xf32>
      %broadcast_in_dim3A_147 = vector.broadcast %jit3A_145 : f32 to vector<16xf32>
      %select_n3A_148 = arith.select %gt3A_134, %broadcast_in_dim3A_146, %broadcast_in_dim3A_147 : vector<16xi1>, vector<16xf32>
      %swap3A_149 = arith.index_cast %multiple_of3A_128 : i32 to index
      %swap3A_150 = tpu.vector_load %arg10[%swap3A_149] {strides = array<i32>} : memref<3200xf32, #tpu.memory_space<vmem>>, vector<16xf32>,
      %swap3A_151 = vector.shape_cast %swap3A_150 : vector<16xf32> to vector<16xf32>
      %swap3A_152 = vector.shape_cast %select_n3A_148 : vector<16xf32> to vector<16xf32>
      tpu.vector_store %arg10[%swap3A_149], %swap3A_152 {strides = array<i32>} : memref<3200xf32, #tpu.memory_space<vmem>>, vector<16xf32>,
      %scan3A_153 = arith.constant 0 : i32
      scf.yield %scan3A_153 : i32
    }
    %scan3A_32 = arith.constant 50 : i32
    %dma_start3A_33 = tpu.memref_slice %arg3[%min3A_7] : memref<100000xf32, #tpu.memory_space<hbm>> -> memref<3200xf32, #tpu.memory_space<hbm>>
    %dma_start3A_34 = tpu.memref_slice %arg3[%min3A_7] : memref<100000xf32, #tpu.memory_space<hbm>> -> memref<3200xf32, #tpu.memory_space<hbm>>
    tpu.enqueue_dma source(%arg9 : memref<3200xf32, #tpu.memory_space<vmem>>) target(%dma_start3A_34 : memref<3200xf32, #tpu.memory_space<hbm>>) target_semaphore(%arg13 : memref<!tpu.dma_semaphore, #tpu.memory_space<semaphore_mem>>)
    %dma_start3A_35 = tpu.memref_slice %arg4[%min3A_7] : memref<100000xf32, #tpu.memory_space<hbm>> -> memref<3200xf32, #tpu.memory_space<hbm>>
    %dma_start3A_36 = tpu.memref_slice %arg4[%min3A_7] : memref<100000xf32, #tpu.memory_space<hbm>> -> memref<3200xf32, #tpu.memory_space<hbm>>
    tpu.enqueue_dma source(%arg10 : memref<3200xf32, #tpu.memory_space<vmem>>) target(%dma_start3A_36 : memref<3200xf32, #tpu.memory_space<hbm>>) target_semaphore(%arg13 : memref<!tpu.dma_semaphore, #tpu.memory_space<semaphore_mem>>)
    %dma_wait3A_37 = tpu.memref_slice %arg3[%min3A_7] : memref<100000xf32, #tpu.memory_space<hbm>> -> memref<3200xf32, #tpu.memory_space<hbm>>
    %dma_wait3A_38 = tpu.memref_slice %arg3[%min3A_7] : memref<100000xf32, #tpu.memory_space<hbm>> -> memref<3200xf32, #tpu.memory_space<hbm>>
    tpu.wait_dma2 semaphore(%arg13 : memref<!tpu.dma_semaphore, #tpu.memory_space<semaphore_mem>>) src(%arg9 : memref<3200xf32, #tpu.memory_space<vmem>>) dst(%dma_wait3A_38 : memref<3200xf32, #tpu.memory_space<hbm>>)
    %dma_wait3A_39 = tpu.memref_slice %arg4[%min3A_7] : memref<100000xf32, #tpu.memory_space<hbm>> -> memref<3200xf32, #tpu.memory_space<hbm>>
    %dma_wait3A_40 = tpu.memref_slice %arg4[%min3A_7] : memref<100000xf32, #tpu.memory_space<hbm>> -> memref<3200xf32, #tpu.memory_space<hbm>>
    tpu.wait_dma2 semaphore(%arg13 : memref<!tpu.dma_semaphore, #tpu.memory_space<semaphore_mem>>) src(%arg10 : memref<3200xf32, #tpu.memory_space<vmem>>) dst(%dma_wait3A_40 : memref<3200xf32, #tpu.memory_space<hbm>>)
    return
  }
}

</mosaic_0001>

<sc_bundles>
// kernel: kernel.3.cloned.1.call-start
scs
__scs_entry_jumppad:
0x0: {  	(pc) =	sbr.rel $0x88, $3  }
0x1: {  	(tag) =	ssettag $0x0;
	lr =	simm.s32 $0x1  }
0x2: {  	[smem:$0x3F9F] =	sst lr;
	_ =	strace $0xD0000000  }
0x3: {  	_ = 	snop  }
0x4: {  	_ = 	snop  }
0x5: {  	_ = 	snop  }
0x6: {  	_ = 	snop  }
0x7: {  	_ = 	snop  }
__scs_overlays_trampoline_lowered:
0x8: {  	[smem:$0x3FAE] =	sst s0  }
0x9: {  	[smem:$0x3FAF] =	sst s1  }
0xa: {  	[smem:$0x3FB0] =	sst s2  }
0xb: {  	[smem:$0x3FB1] =	sst s3  }
0xc: {  	[smem:$0x3FB2] =	sst s4  }
0xd: {  	[smem:$0x3FB3] =	sst s5  }
0xe: {  	[smem:$0x3FB4] =	sst s6  }
0xf: {  	[smem:$0x3FB5] =	sst s7  }
0x10: {  	[smem:$0x3FB6] =	sst s8  }
0x11: {  	[smem:$0x3FB7] =	sst s9;
	s0 =	simm.s32 @!p0 $0x0  }
0x12: {  	s1 =	sld [smem:$0x3F9D];
	s0 =	simm.s32 @p0 $0x1  }
0x13: {  	[smem:$0x3FB8] =	sst s0;
	s0 =	simm.s32 @!p1 $0x0  }
0x14: {  	s2 =	sld [smem:$0x3F9C];
	s0 =	simm.s32 @p1 $0x1  }
0x15: {  	[smem:$0x3FB9] =	sst s0;
	s0 =	simm.s32 @!p2 $0x0  }
0x16: {  	s3 =	sld [smem:$0x3FDB];
	s0 =	simm.s32 @p2 $0x1  }
0x17: {  	s4 =	simm.s32 $0x1BF5;
	[smem:$0x3FBB] =	sst s0  }
0x18: {  	s0 =	sld [smem:$0x3F9E];
	_ =	swait.ge [sflag:s4], $0x0  }
0x19: {  	s7 =	sld [smem:$0x3F9F]  }
0x1a: {  	s8 =	sadd.s32 $0xFFFFE003, lr  }
0x1b: {  	s9 =	sadd.s32 $0xFFFFFEF7, lr;
	s5 =	simm.s32 $0xFFFFFFFF;
	p2 =	slt.u32 s8, $0xFFFFF086  }
0x1c: {  	p1 =	slt.u32 s9, $0xF7A;
	s5 =	simm.s32 @!p2 $0x0  }
0x1d: {  	s5 =	simm.s32 @p1 $0x1;
	p0 =	seq.s32 s7, s2  }
0x1e: {  	s7 =	smul.u32 @!p0 $0xF7A, s2;
	p2 =	seq.s32 @!p0 s5, $0x0  }
0x1f: {  	s9 =	smul.u32 $0xF7A, s1;
	s8 =	simm.s32 @!p0 $0x1BF5;
	p2 =	por !p2, p0  }
0x20: {  	[sflag:s8] =	ssyncset.s32 @!p0 $0xFFFFF086;
	s6 =	sadd.s32 @!p0 s3, s7;
	s7 =	simm.s32 @!p0 $0x108  }
0x21: {  	s3 =	sadd.s32 s3, s9;
	s6 =	sadd.s32 @!p0 $0x88, s6;
	s7 =	simm.s32 @p2 $0x1082  }
0x22: {  	[simem:s7], [sflag:s8] =	dma.local @!p0 [hbm:s6], $0xF7A  }
0x23: {  	s9 =	sor.u32 $0xD0000000, s2;
	s6 =	simm.s32 $0x108;
	_ =	swait.ge @!p0 [sflag:s8], $0x0  }
0x24: {  	s3 =	sadd.s32 $0x88, s3;
	s6 =	simm.s32 @!p1 $0x1082;
	[sflag:s4] =	ssyncset.s32 $0xFFFFF086  }
0x25: {  	[simem:s6], [sflag:s4] =	dma.local [hbm:s3], $0xF7A  }
0x26: {  	[smem:$0x3F9F] =	sst s1;
	(tag) =	ssettag s2;
	_ =	strace s9  }
0x27: {  	s1 =	sld [smem:$0x3FAF]  }
0x28: {  	s2 =	sld [smem:$0x3FB0]  }
0x29: {  	s4 =	sld [smem:$0x3FB2]  }
0x2a: {  	p0 =	seq.s32 s5, $0x0;
	s5 =	sld [smem:$0x3FB3]  }
0x2b: {  	s6 =	sld [smem:$0x3FB4]  }
0x2c: {  	s7 =	sld [smem:$0x3FB5]  }
0x2d: {  	s3 =	simm.s32 $0x108;
	s8 =	sld [smem:$0x3FB6]  }
0x2e: {  	s3 =	simm.s32 @!p0 $0x1082;
	s9 =	sld [smem:$0x3FB7]  }
0x2f: {  	lr =	sadd.s32 s0, s3;
	s0 =	sld [smem:$0x3FAE]  }
0x30: {  	s3 =	sld [smem:$0x3FB1]  }
0x31: {  	[smem:$0x3FBA] =	sst s10  }
0x32: {  	s10 =	sld [smem:$0x3FB8];
	_ =	sdelay $0x3  }
0x33: {  	p0 =	seq.s32 s10, $0x1;
	s10 =	sld [smem:$0x3FBA];
	_ =	sdelay $0x3  }
0x34: {  	[smem:$0x3FBA] =	sst s10  }
0x35: {  	s10 =	sld [smem:$0x3FB9];
	_ =	sdelay $0x3  }
0x36: {  	p1 =	seq.s32 s10, $0x1;
	s10 =	sld [smem:$0x3FBA];
	_ =	sdelay $0x3  }
0x37: {  	[smem:$0x3FBA] =	sst s10  }
0x38: {  	s10 =	sld [smem:$0x3FBB]  }
0x39: {  	_ = 	snop;
	(pc) =	sbr.ind lr, $3  }
0x3a: {  	_ = 	snop  }
0x3b: {  	_ = 	snop  }
0x3c: {  	p2 =	seq.s32 s10, $0x1;
	s10 =	sld [smem:$0x3FBA]  }
0x3d: {  	_ =	shalt  }
0x3e: {  	_ =	shalt  }
0x3f: {  	_ =	shalt  }
0x40: {  	_ =	shalt  }
0x41: {  	_ =	shalt  }
0x42: {  	_ =	shalt  }
0x43: {  	_ =	shalt  }
0x44: {  	_ =	shalt  }
0x45: {  	_ =	shalt  }
0x46: {  	_ =	shalt  }
0x47: {  	_ =	shalt  }
0x48: {  	_ =	shalt  }
0x49: {  	_ =	shalt  }
0x4a: {  	_ =	shalt  }
0x4b: {  	_ =	shalt  }
0x4c: {  	_ =	shalt  }
0x4d: {  	_ =	shalt  }
0x4e: {  	_ =	shalt  }
0x4f: {  	_ =	shalt  }
0x50: {  	_ =	shalt  }
0x51: {  	_ =	shalt  }
0x52: {  	_ =	shalt  }
0x53: {  	_ =	shalt  }
0x54: {  	_ =	shalt  }
0x55: {  	_ =	shalt  }
0x56: {  	_ =	shalt  }
0x57: {  	_ =	shalt  }
0x58: {  	_ =	shalt  }
0x59: {  	_ =	shalt  }
0x5a: {  	_ =	shalt  }
0x5b: {  	_ =	shalt  }
0x5c: {  	_ =	shalt  }
0x5d: {  	_ =	shalt  }
0x5e: {  	_ =	shalt  }
0x5f: {  	_ =	shalt  }
0x60: {  	_ =	shalt  }
0x61: {  	_ =	shalt  }
0x62: {  	_ =	shalt  }
0x63: {  	_ =	shalt  }
0x64: {  	_ =	shalt  }
0x65: {  	_ =	shalt  }
0x66: {  	_ =	shalt  }
0x67: {  	_ =	shalt  }
0x68: {  	_ =	shalt  }
0x69: {  	_ =	shalt  }
0x6a: {  	_ =	shalt  }
0x6b: {  	_ =	shalt  }
0x6c: {  	_ =	shalt  }
0x6d: {  	_ =	shalt  }
0x6e: {  	_ =	shalt  }
0x6f: {  	_ =	shalt  }
0x70: {  	_ =	shalt  }
0x71: {  	_ =	shalt  }
0x72: {  	_ =	shalt  }
0x73: {  	_ =	shalt  }
0x74: {  	_ =	shalt  }
0x75: {  	_ =	shalt  }
0x76: {  	_ =	shalt  }
0x77: {  	_ =	shalt  }
0x78: {  	_ =	shalt  }
0x79: {  	_ =	shalt  }
0x7a: {  	_ =	shalt  }
0x7b: {  	_ =	shalt  }
0x7c: {  	_ =	shalt  }
0x7d: {  	_ =	shalt  }
0x7e: {  	_ =	shalt  }
0x7f: {  	_ =	shalt  }
0x80: {  	_ =	shalt  }
0x81: {  	_ =	shalt  }
0x82: {  	_ =	shalt  }
0x83: {  	_ =	shalt  }
0x84: {  	_ =	shalt  }
0x85: {  	_ =	shalt  }
0x86: {  	_ =	shalt  }
0x87: {  	_ =	shalt  }
.Lfunc_end0:
.L_simem_size_0:
called_computation_lowered:
.L_overlay_start_0:
0x88: {  	s2 =	sld [smem:$0x3FD9]  }
0x89: {  	s3 =	sld [smem:$0x3FFE];
	_ =	sdelay $0x1  }
0x8a: {  	s1 =	srdreg.scid  }
0x8b: {  	s0 =	sand.u32 $0x1, s1  }
0x8c: {  	s15 =	sshll.u32 s0, $0xA;
	s2 =	sadd.s32 s3, s2  }
0x8d: {  	s2 =	sadd.s32 s2, s15  }
0x8e: {  	[smem:$0x3FC6] =	sst s2  }
0x8f: {  	_ = 	snop  }
0x90: {  	s2 =	sld [smem:$0x3FD0];
	_ =	sdelay $0x2  }
0x91: {  	s4 =	simm.s32 $0xA;
	s5 =	simm.s32 $0x10;
	s16 =	sld [smem:$0x3FC9]  }
0x92: {  	[smem:s5], [sflag:s4] =	dma.local [hbm:s2], $0x1  }
0x93: {  	_ =	swait.eq [sflag:s4], $0x1  }
0x94: {  	[sflag:s4] =	ssyncset.done $0x0  }
0x95: {  	s17 =	sld [smem:$0x10];
	[sflag:s4] =	ssyncadd.s32 $0xFFFFFFFF  }
0x96: {  	s18 =	sld [smem:$0x11];
	(tm) =	ssettm $0x1  }
0x97: {  	s19 =	sld [smem:$0x3FFB];
	_ =	sdelay $0x3  }
0x98: {  	_ =	strace s19  }
0x99: {  	s5 =	sld [smem:$0x3FFC];
	_ =	sdelay $0x3  }
0x9a: {  	_ =	strace s5  }
0x9b: {  	s5 =	sld [smem:$0x3FFD];
	_ =	sdelay $0x3  }
0x9c: {  	_ =	strace s5  }
0x9d: {  	_ =	strace $0x8FFFFFFF  }
0x9e: {  	s20 =	sld [smem:$0x3FDB];
	_ =	sdelay $0x1  }
0x9f: {  	s6 =	simm.s32 $_scs_section_size  }
0xa0: {  	s7 =	simm.s32 $_size__tile_overlayer_lowered;
	s8 =	simm.s32 $_tile_overlayer_lowered  }
0xa1: {  	s23 =	simm.s32 $0x1BFF;
	s22 =	sshll.u32 s8, $0x1;
	s5 =	sadd.s32 s6, s20  }
0xa2: {  	s9 =	simm.s32 $0x0;
	s21 =	sshll.u32 s7, $0x1;
	s7 =	sadd.s32 s22, s5  }
0xa3: {  	[timem:s9], [sflag:s23] =	dma.local [hbm:s7], s21  }
0xa4: {  	_ =	swait.ge [sflag:s23], s21  }
0xa5: {  	s6 =	ssub.s32 $0x0, s21;
	[sflag:s23] =	ssyncset.done $0x0  }
0xa6: {  	[sflag:s23] =	ssyncadd.s32 s6;
	_ =	sdelay $0x1  }
0xa7: {  	s24 =	simm.s32 $0x1B8B  }
0xa8: {  	_ =	swait.ge [sflag:s24], $0x1  }
0xa9: {  	[sflag:s24] =	ssyncset.done $0x0  }
0xaa: {  	s25 =	simm.s32 $0x1B8E;
	[sflag:s24] =	ssyncadd.s32 $0xFFFFFFFF  }
0xab: {  	s26 =	simm.s32 $execute0_lowered;
	[smem:$0x3FD2] =	sst s25  }
0xac: {  	s6 =	sshll.u32 s26, $0x1;
	_ =	strace $0x80000046;
	[dreg:$0x1] =	wrdreg $0xFFFFFFFF  }
0xad: {  	s28 =	simm.s32 $_size_execute0_lowered;
	s5 =	sadd.s32 s5, s6;
	[dreg:$0x0] =	wrdreg $0x0  }
0xae: {  	s6 =	sshll.u32 s28, $0x1;
	[dreg:$0x2] =	wrdreg s5  }
0xaf: {  	[dreg:$0x3] =	wrdreg s6  }
0xb0: {  	[dreg:$0x4] =	wrdreg $0xC0  }
0xb1: {  	_ =	task [dreg:s9], $0x5FFFF  }
0xb2: {  	[dreg:$0x1] =	wrdreg $0xFFFFFFFF  }
0xb3: {  	[dreg:$0x0] =	wrdreg $0x60  }
0xb4: {  	[dreg:$0x2] =	wrdreg s16  }
0xb5: {  	[dreg:$0x3] =	wrdreg s17  }
0xb6: {  	[dreg:$0x4] =	wrdreg s18  }
0xb7: {  	[dreg:$0x5] =	wrdreg $0x6F000  }
0xb8: {  	[dreg:$0x6] =	wrdreg $0x9  }
0xb9: {  	_ =	task.clear_ibuf [dreg:s9], $0x7FFFF;
	_ =	strace $0x90000046  }
0xba: {  	s29 =	simm.s32 $0x9;
	_ =	strace $0x80000048  }
0xbb: {  	_ =	swait.ge [sflag:s29], $0x1  }
0xbc: {  	[sflag:s29] =	ssyncadd.s32 $0xFFFFFFFF  }
0xbd: {  	_ =	strace $0x90000048  }
0xbe: {  	_ =	sfence  }
0xbf: {  	s30 =	sld [smem:$0x0];
	_ =	sdelay $0x2  }
0xc0: {  	s31 =	sshll.u32 s1, $0xD;
	s1 =	sshrl.u32 s1, $0x2  }
0xc1: {  	s3 =	sand.u32 $0x4000, s31;
	s1 =	sadd.s32 s1, s30  }
0xc2: {  	s0 =	sor.u32 s3, s0;
	s1 =	sshll.u32 s1, $0x11  }
0xc3: {  	s0 =	sor.u32 s1, s0  }
0xc4: {  	s0 =	sadd.s32 $0x8F2B, s0  }
0xc5: {  	[sflag:s0] =	ssyncadd.remote.s32 $0x1  }
0xc6: {  	_ =	sfence.sel $0xFFFF  }
0xc7: {  	[dreg:$0x0] =	wrdreg $0xFFFFFFFF;
	(pc) =	sbr.abs _section_cstart, $3  }
0xc8: {  	[dreg:$0x1] =	wrdreg $0xFFFFFFFF  }
0xc9: {  	_ =	task.clear_ibuf [dreg:s9], $0x2FFFF;
	_ =	strace $0x9FFFFFFF  }
0xca: {  	(tm) =	ssettm $0x7FFFFFFF  }
0xcb: {  	_ =	shalt  }
tec
execute0_lowered:
.L_overlay_start_1:
0x0: {  	(tag) =	ssettag $0x1  }
0x1: {  	s4 =	rddreg [dreg:$0x0]  }
0x2: {  	s7 =	rddreg [dreg:$0x1]  }
0x3: {  	s8 =	rddreg [dreg:$0x2]  }
0x4: {  	s2 =	rddreg [dreg:$0x3]  }
0x5: {  	s0 =	rddreg [dreg:$0x4];
	s3 =	simm.s32 $0x0;
	s5 =	srdreg.scid  }
0x6: {  	s1 =	stileid.u32;
	s13 =	simm.s32 $0x3100;
	s14 =	simm.s32 $0x3  }
0x7: {  	s15 =	simm.s32 $0x4980;
	s16 =	simm.s32 $0x5600;
	s17 =	simm.s32 $0x6280  }
0x8: {  	s5 =	sand.u32 $0x1, s5;
	s6 =	sshll.u32 s1, $0x1;
	s9 =	smul.u32 $0x1880, s1  }
0x9: {  	s18 =	simm.s32 $0x0;
	[smem:$0x7FF] =	sst s3;
	s6 =	sor.u32 s5, s6  }
0xa: {  	s5 =	ssub.s32 $0x2, s5;
	s6 =	smul.u32 $0xC80, s6;
	s10 =	smin.u32 s9, $0x16E20  }
0xb: {  	_ =	strace $0x80000047;
	s11 =	sshrl.u32 s5, $0x1;
	s10 =	sshrl.u32 s10, $0x3  }
0xc: {  	s11 =	ssub.s32 s5, s11;
	s5 =	sadd.s32 s9, s2;
	s12 =	smin.u32 s6, $0x17A20  }
0xd: {  	s4 =	sadd.s32 s4, s10;
	s9 =	smax.u32 s11, $0x1;
	s10 =	simm.s32 $0x1880  }
0xe: {  	v0 =	vimm.s32 $0x0;
	s11 =	simm.s32 $0x2;
	s6 =	sadd.s32 s12, s2;
	s31 =	sshrl.u32 s12, $0x3  }
0xf: {  	v1 =	vimm.s32 $0x1;
	v2 =	vimm.f32 $0.0e+00;
	v3 =	vimm.f32 $-1.000000000e+01;
	s12 =	simm.s32 $0x1;
	s7 =	sadd.s32 s7, s31;
	s8 =	sadd.s32 s8, s31  }
.LBB2_1:
0x10: {  	[tilespmem:s3], [sflag:$0x1] =	stream.linear.gather [hbm4b:s4+s3], $0x1880, $0x38;
	[tilespmem:$0x8780] =	vst v63  }
0x11: {  	s19 =	simm.s32 $0x0;
	s20 =	simm.s32 $0x200  }
.LBB2_2:
0x12: {  	p0 =	sne.s32 s20, $0x6000;
	[tilespmem:s19+$0x3170] =	vst v1  }
0x13: {  	[tilespmem:s19+$0x1880] =	vst v0  }
0x14: {  	[tilespmem:s19+$0x3100] =	vst v1  }
0x15: {  	[tilespmem:s19+$0x1890] =	vst v0  }
0x16: {  	[tilespmem:s19+$0x3110] =	vst v1  }
0x17: {  	[tilespmem:s19+$0x18A0] =	vst v0  }
0x18: {  	[tilespmem:s19+$0x3120] =	vst v1  }
0x19: {  	[tilespmem:s19+$0x18B0] =	vst v0  }
0x1a: {  	[tilespmem:s19+$0x3130] =	vst v1  }
0x1b: {  	[tilespmem:s19+$0x18C0] =	vst v0  }
0x1c: {  	[tilespmem:s19+$0x3140] =	vst v1  }
.Ltmp0:
0x1d: {  	[tilespmem:s19+$0x18D0] =	vst v0;
	(pc) =	sbr.rel @p0 .LBB2_2-.Ltmp0, $4  }
0x1e: {  	[tilespmem:s19+$0x3150] =	vst v1  }
0x1f: {  	[tilespmem:s19+$0x18E0] =	vst v0  }
0x20: {  	[tilespmem:s19+$0x3160] =	vst v1  }
0x21: {  	[tilespmem:s19+$0x18F0] =	vst v0;
	s19 =	sshra.s32 s20, $0x2;
	s20 =	sadd.s32 $0x200, s20  }
0x22: {  	[tilespmem:s19+$0x3170] =	vst v1  }
0x23: {  	[tilespmem:s19+$0x1880] =	vst v0  }
0x24: {  	[tilespmem:s19+$0x3100] =	vst v1  }
0x25: {  	[tilespmem:s19+$0x1890] =	vst v0  }
0x26: {  	[tilespmem:s19+$0x3110] =	vst v1  }
0x27: {  	[tilespmem:s19+$0x18A0] =	vst v0  }
0x28: {  	[tilespmem:s19+$0x3120] =	vst v1  }
0x29: {  	[tilespmem:s19+$0x18B0] =	vst v0  }
0x2a: {  	[tilespmem:s19+$0x3130] =	vst v1  }
0x2b: {  	[tilespmem:s19+$0x18C0] =	vst v0  }
0x2c: {  	[tilespmem:s19+$0x3140] =	vst v1  }
0x2d: {  	[tilespmem:s19+$0x18D0] =	vst v0  }
0x2e: {  	[tilespmem:s19+$0x3150] =	vst v1  }
0x2f: {  	[tilespmem:s19+$0x18E0] =	vst v0  }
0x30: {  	[tilespmem:s19+$0x3160] =	vst v1  }
0x31: {  	[tilespmem:s19+$0x18F0] =	vst v0  }
0x32: {  	[spmem:s5] =	stream.linear.scatter [tilespmem:s10], [sflag:$0x2], $0x1880, $0x38;
	[tilespmem:$0x8780] =	vst v63  }
0x33: {  	_ =	swait.ge [sflag:s11], $0x1880  }
0x34: {  	[sflag:s11] =	ssyncset.done $0x0  }
0x35: {  	[sflag:s11] =	ssyncadd.s32 $0xFFFFE780  }
0x36: {  	[bflag:$0x0] =	sbarrier.arrive $0xFFFF  }
0x37: {  	_ =	swait.ge [sflag:s12], $0x1880  }
0x38: {  	[sflag:s12] =	ssyncset.done $0x0  }
0x39: {  	s31 =	simm.s32 $0x0;
	[sflag:s12] =	ssyncadd.s32 $0xFFFFE780  }
0x3a: {  	[spmem:s2] =	stream.indirect.scatter.add.s32 [tilespmem:s13], [sflag:$0x3], $0x1, s31, s10, $0xb8;
	[tilespmem:$0x8780] =	vst v63  }
0x3b: {  	_ =	swait.ge [sflag:s14], $0x1880  }
0x3c: {  	[sflag:s14] =	ssyncset.done $0x0  }
0x3d: {  	[sflag:s14] =	ssyncadd.s32 $0xFFFFE780  }
0x3e: {  	[bflag:$0x0] =	sbarrier.arrive $0xFFFF  }
0x3f: {  	[tilespmem:s15], [sflag:$0x3] =	stream.linear.gather [spmem:s6], $0xC80, $0x38;
	[tilespmem:$0x8780] =	vst v63  }
0x40: {  	_ =	swait.ge [sflag:s14], $0xC80  }
0x41: {  	[sflag:s14] =	ssyncset.done $0x0  }
0x42: {  	s20 =	simm.s32 $0x0;
	[sflag:s14] =	ssyncadd.s32 $0xFFFFF380  }
0x43: {  	v4 =	vld [tilespmem:s20+$0x49B0]  }
0x44: {  	v6 =	vld [tilespmem:s20+$0x4980]  }
0x45: {  	v8 =	vld [tilespmem:s20+$0x4990]  }
0x46: {  	v5 =	vld [tilespmem:s20+$0x49A0];
	_ =	sdelay $0x1  }
0x47: {  	vm0 =	vgt.s32 v4, $0x0  }
0x48: {  	vm1 =	vgt.s32 v6, $0x0;
	v4 =	vsel vm0, $0x3F800000, v2;
	v9 =	vsel vm0, $0x4019771E, v3  }
0x49: {  	s19 =	simm.s32 $0x40;
	s21 =	simm.s32 $0x200;
	v7 =	vsel vm1, $0x3F800000, v2;
	v6 =	vsel vm1, $0x4019771E, v3;
	vm0 =	vgt.s32 v8, $0x0;
	[tilespmem:s20+$0x62B0] =	vst v9  }
.LBB2_4:
0x4a: {  	p0 =	sne.s32 s21, $0x3100;
	v8 =	vld [tilespmem:s19+$0x49B0];
	[tilespmem:s20+$0x5600] =	vst v7;
	v7 =	vsel vm0, $0x3F800000, v2;
	v9 =	vsel vm0, $0x4019771E, v3;
	vm0 =	vgt.s32 v5, $0x0  }
0x4b: {  	v10 =	vld [tilespmem:s19+$0x4980];
	[tilespmem:s20+$0x6280] =	vst v6;
	v6 =	vsel vm0, $0x3F800000, v2;
	v11 =	vsel vm0, $0x4019771E, v3  }
0x4c: {  	v12 =	vld [tilespmem:s19+$0x4990];
	[tilespmem:s20+$0x5610] =	vst v7  }
.Ltmp1:
0x4d: {  	v5 =	vld [tilespmem:s19+$0x49A0];
	[tilespmem:s20+$0x6290] =	vst v9;
	(pc) =	sbr.rel @p0 .LBB2_4-.Ltmp1, $4  }
0x4e: {  	[tilespmem:s20+$0x5620] =	vst v6  }
0x4f: {  	vm0 =	vgt.s32 v8, $0x0;
	[tilespmem:s20+$0x62A0] =	vst v11  }
0x50: {  	vm1 =	vgt.s32 v10, $0x0;
	v8 =	vsel vm0, $0x4019771E, v3;
	[tilespmem:s20+$0x5630] =	vst v4;
	v4 =	vsel vm0, $0x3F800000, v2;
	s20 =	smov.u32 s19  }
0x51: {  	s19 =	sshra.s32 s21, $0x2;
	s21 =	sadd.s32 $0x100, s21;
	v7 =	vsel vm1, $0x3F800000, v2;
	v6 =	vsel vm1, $0x4019771E, v3;
	vm0 =	vgt.s32 v12, $0x0;
	[tilespmem:s20+$0x62B0] =	vst v8  }
0x52: {  	v8 =	vld [tilespmem:s19+$0x49B0];
	[tilespmem:s20+$0x5600] =	vst v7  }
0x53: {  	v58 =	vsel vm0, $0x3F800000, v2;
	v7 =	vld [tilespmem:s19+$0x4980];
	[tilespmem:s20+$0x6280] =	vst v6  }
0x54: {  	v59 =	vsel vm0, $0x4019771E, v3;
	vm12 =	vgt.s32 v5, $0x0;
	v9 =	vld [tilespmem:s19+$0x4990];
	[tilespmem:s20+$0x5610] =	vst v58  }
0x55: {  	v10 =	vsel vm12, $0x3F800000, v2;
	v5 =	vld [tilespmem:s19+$0x49A0];
	[tilespmem:s20+$0x6290] =	vst v59  }
0x56: {  	v60 =	vsel vm12, $0x4019771E, v3;
	[tilespmem:s20+$0x5620] =	vst v10  }
0x57: {  	[tilespmem:s20+$0x62A0] =	vst v60;
	vm13 =	vgt.s32 v8, $0x0  }
0x58: {  	[tilespmem:s20+$0x5630] =	vst v4;
	vm1 =	vgt.s32 v7, $0x0;
	v61 =	vsel vm13, $0x4019771E, v3  }
0x59: {  	v4 =	vsel vm1, $0x3F800000, v2;
	[tilespmem:s19+$0x62B0] =	vst v61  }
0x5a: {  	v62 =	vsel vm1, $0x4019771E, v3;
	vm14 =	vgt.s32 v9, $0x0;
	[tilespmem:s19+$0x5600] =	vst v4  }
0x5b: {  	v4 =	vsel vm14, $0x3F800000, v2;
	[tilespmem:s19+$0x6280] =	vst v62  }
0x5c: {  	v63 =	vsel vm14, $0x4019771E, v3;
	vm15 =	vgt.s32 v5, $0x0;
	[tilespmem:s19+$0x5610] =	vst v4  }
0x5d: {  	v4 =	vsel vm15, $0x3F800000, v2;
	[tilespmem:s19+$0x6290] =	vst v63  }
0x5e: {  	v5 =	vsel vm15, $0x4019771E, v3;
	[tilespmem:s19+$0x5620] =	vst v4  }
0x5f: {  	v4 =	vsel vm13, $0x3F800000, v2;
	[tilespmem:s19+$0x62A0] =	vst v5  }
0x60: {  	[tilespmem:s19+$0x5630] =	vst v4  }
0x61: {  	[hbm4b:s7+s3] =	stream.linear.scatter [tilespmem:s16], [sflag:$0x2], $0xC80, $0x38;
	[tilespmem:$0x8780] =	vst v63  }
0x62: {  	s18 =	sadd.s32 $0x1, s18  }
0x63: {  	[hbm4b:s8+s3] =	stream.linear.scatter [tilespmem:s17], [sflag:$0x2], $0xC80, $0x38;
	[tilespmem:$0x8780] =	vst v63  }
0x64: {  	p0 =	sne.s32 s18, s9;
	_ =	swait.ge [sflag:s11], $0xC80  }
.Ltmp2:
0x65: {  	[sflag:s11] =	ssyncset.done $0x0;
	(pc) =	sbr.rel @p0 .LBB2_1-.Ltmp2, $4  }
0x66: {  	[sflag:s11] =	ssyncadd.s32 $0xFFFFF380  }
0x67: {  	_ =	swait.ge [sflag:s11], $0xC80  }
0x68: {  	[sflag:s11] =	ssyncset.done $0x0  }
0x69: {  	[sflag:s11] =	ssyncadd.s32 $0xFFFFF380  }
0x6a: {  	_ =	sfence.sel $0x180000  }
0x6b: {  	[bflag:$0x0] =	sbarrier.arrive $0xFFFF  }
0x6c: {  	p0 =	sne.s32 s1, $0x0;
	_ =	strace $0x90000047  }
0x6d: {  	s0 =	sadd.s32 @!p0 $0x100000, s0;
	[bflag:$0x2] =	sbarrier.arrive $0xFFFF  }
0x6e: {  	[sflag:s0] =	ssyncadd.tile.s32 @!p0 $0x1;
	_ =	shalt  }
.Lfunc_end2:
_tile_overlayer_lowered:
.L_overlay_start_2:
0x6f: {  	(tag) =	ssettag $0x2  }
0x70: {  	s0 =	rddreg [dreg:$0x0];
	s2 =	stileid.u32  }
0x71: {  	s1 =	rddreg [dreg:$0x1];
	p0 =	sne.s32 s2, $0x0  }
0x72: {  	s3 =	rddreg [dreg:$0x2];
	[bflag:$0x3] =	sbarrier.arrive $0xFFFF;
	s2 =	simm.s32 @!p0 $0x1C03  }
0x73: {  	[timem:s3], [sflag:s2] =	dma.local @!p0 [hbm:s0], s1  }
0x74: {  	s0 =	simm.s32 @!p0 $0x3  }
0x75: {  	_ =	swait.ge @!p0 [sflag:s0], s1  }
0x76: {  	s1 =	ssub.s32 @!p0 $0x0, s1;
	[sflag:s0] =	ssyncset.done @!p0 $0x0  }
0x77: {  	[sflag:s0] =	ssyncadd.s32 @!p0 s1  }
0x78: {  	[bflag:$0x3] =	sbarrier.arrive $0xFFFF  }
0x79: {  	_ =	shalt  }

</sc_bundles>
